<compile_context>
chip_gen: v7x
topology: tpu7x:2x2x1
jax: 0.10.2.dev20260603
libtpu: 0.0.44.dev20260713+nightly
codegen_flags: <defaults>
</compile_context>

<pallas_src>
import functools
import jax
import jax.numpy as jnp
from jax import lax
from jax.experimental import pallas as pl
from jax.experimental.pallas import tpu as pltpu
from jax.experimental.pallas import tpu_sc as plsc

NC, NS, L = 2, 16, 16
NW = NC * NS
B, N = 128, 32768
ROWS_PER_W = B // NW
K = 20
KPAD = 32

@functools.partial(
    pl.kernel,
    out_type=(jax.ShapeDtypeStruct((B, KPAD), jnp.float32),
              jax.ShapeDtypeStruct((B, KPAD), jnp.int32)),
    mesh=plsc.VectorSubcoreMesh(core_axis_name="c", subcore_axis_name="s"),
    compiler_params=pltpu.CompilerParams(needs_layout_passes=False),
    scratch_types=[
        pltpu.VMEM((N,), jnp.float32),
        pltpu.VMEM((N,), jnp.float32),
        pltpu.VMEM((N,), jnp.float32),
        pltpu.VMEM((KPAD,), jnp.float32),
        pltpu.VMEM((KPAD,), jnp.int32),
        pltpu.SemaphoreType.DMA,
        pltpu.SemaphoreType.DMA,
        pltpu.SemaphoreType.DMA,
    ],
)
def _sc_probe(x_hbm, outv_hbm, outi_hbm, row_a, row_b, row_c, outv_v, outi_v,
              sem_a, sem_b, sem_c):
    wid = lax.axis_index("s") * NC + lax.axis_index("c")
    base_row = wid * ROWS_PER_W
    cp_a = pltpu.async_copy(x_hbm.at[base_row], row_a, sem_a)
    cp_b = pltpu.async_copy(x_hbm.at[base_row + 1], row_b, sem_b)
    cp_c = pltpu.async_copy(x_hbm.at[base_row + 2], row_c, sem_c)
    cp_a.wait(); cp_b.wait(); cp_c.wait()
    cp_d = pltpu.async_copy(x_hbm.at[base_row + 3], row_a, sem_a)
    cp_d.wait()
    for rr in range(ROWS_PER_W):
        outv_v[pl.ds(0, L)] = row_a[pl.ds(0, L)]
        outv_v[pl.ds(L, L)] = row_b[pl.ds(0, L)]
        outi_v[pl.ds(0, L)] = lax.iota(jnp.int32, L)
        outi_v[pl.ds(L, L)] = lax.iota(jnp.int32, L)
        pltpu.sync_copy(outv_v, outv_hbm.at[base_row + rr])
        pltpu.sync_copy(outi_v, outi_hbm.at[base_row + rr])


def kernel(x):
    outv, outi = _sc_probe(x)
    return outv[:, :K], outi[:, :K]

# --- scband reference (transcript-rebuilt; emitter-appended) ---
"""Pipeline reference for scband-my-model-61933428410873 (READ-ONLY COPY).

The authoritative reference and input builder live on the scoring server;
editing this copy changes nothing except your own understanding.
"""

import jax, jax.numpy as jnp
import numpy as np

def setup_inputs(seed: int = 0):
    key = jax.random.key(seed)
    x = jax.random.normal(key, (128, 32768), dtype=jnp.float32)
    return {"x": x}

def reference(x):
    # Original torch module loops over batch items and does topk(20, dim=-1) per item,
    # then stacks. This is exactly equivalent to a batched top_k along the last axis.
    p_, i_ = jax.lax.top_k(x, 20)
    return (p_, i_)

if __name__ == "__main__":
    import jax
    _d = setup_inputs()
    print(jax.jit(kernel)(*tuple(_d.values())))

</pallas_src>

<mosaic_0001>
#map = affine_map<(d0, d1) -> (0, 0)>
module attributes {stable_mosaic.version = 14 : i64} {
  func.func @_sc_probe(%arg0: i32, %arg1: i32, %arg2: memref<128x32768xf32, #tpu.memory_space<hbm>>, %arg3: memref<128x32xf32, #tpu.memory_space<hbm>>, %arg4: memref<128x32xi32, #tpu.memory_space<hbm>>, %arg5: memref<32768xf32, #tpu.memory_space<vmem>>, %arg6: memref<32768xf32, #tpu.memory_space<vmem>>, %arg7: memref<32768xf32, #tpu.memory_space<vmem>>, %arg8: memref<32xf32, #tpu.memory_space<vmem>>, %arg9: memref<32xi32, #tpu.memory_space<vmem>>, %arg10: memref<!tpu.dma_semaphore, #tpu.memory_space<semaphore_mem>>, %arg11: memref<!tpu.dma_semaphore, #tpu.memory_space<semaphore_mem>>, %arg12: memref<!tpu.dma_semaphore, #tpu.memory_space<semaphore_mem>>) attributes {dimension_semantics = [#tpu.dimension_semantics<core_parallel>, #tpu.dimension_semantics<subcore_parallel>], iteration_bounds = array<i64: 2, 16>, scalar_prefetch = 0 : i64, scratch_operands = 8 : i64, tpu.core_type = #tpu.core_type<sc_vector_subcore>, window_params = [{transform_indices = #map}, {transform_indices = #map}, {transform_indices = #map}]} {
    %mul3A = arith.constant 2 : i32
    %mul3A_0 = arith.muli %arg1, %mul3A : i32
    %add3A = arith.addi %mul3A_0, %arg0 : i32
    %mul3A_1 = arith.constant 4 : i32
    %mul3A_2 = arith.muli %add3A, %mul3A_1 : i32
    %dma_start3A = arith.constant 0 : i32
    %dma_start3A_3 = tpu.memref_slice %arg2[%mul3A_2, %dma_start3A] : memref<128x32768xf32, #tpu.memory_space<hbm>> -> memref<1x32768xf32, #tpu.memory_space<hbm>>
    %dma_start3A_4 = tpu.memref_squeeze %dma_start3A_3 : memref<1x32768xf32, #tpu.memory_space<hbm>> -> memref<32768xf32, #tpu.memory_space<hbm>>
    %dma_start3A_5 = arith.constant 0 : i32
    %dma_start3A_6 = tpu.memref_slice %arg2[%mul3A_2, %dma_start3A_5] : memref<128x32768xf32, #tpu.memory_space<hbm>> -> memref<1x32768xf32, #tpu.memory_space<hbm>>
    %dma_start3A_7 = tpu.memref_squeeze %dma_start3A_6 : memref<1x32768xf32, #tpu.memory_space<hbm>> -> memref<32768xf32, #tpu.memory_space<hbm>>
    tpu.enqueue_dma source(%dma_start3A_7 : memref<32768xf32, #tpu.memory_space<hbm>>) target(%arg5 : memref<32768xf32, #tpu.memory_space<vmem>>) target_semaphore(%arg10 : memref<!tpu.dma_semaphore, #tpu.memory_space<semaphore_mem>>)
    %add3A_8 = arith.constant 1 : i32
    %add3A_9 = arith.addi %mul3A_2, %add3A_8 : i32
    %dma_start3A_10 = arith.constant 0 : i32
    %dma_start3A_11 = tpu.memref_slice %arg2[%add3A_9, %dma_start3A_10] : memref<128x32768xf32, #tpu.memory_space<hbm>> -> memref<1x32768xf32, #tpu.memory_space<hbm>>
    %dma_start3A_12 = tpu.memref_squeeze %dma_start3A_11 : memref<1x32768xf32, #tpu.memory_space<hbm>> -> memref<32768xf32, #tpu.memory_space<hbm>>
    %dma_start3A_13 = arith.constant 0 : i32
    %dma_start3A_14 = tpu.memref_slice %arg2[%add3A_9, %dma_start3A_13] : memref<128x32768xf32, #tpu.memory_space<hbm>> -> memref<1x32768xf32, #tpu.memory_space<hbm>>
    %dma_start3A_15 = tpu.memref_squeeze %dma_start3A_14 : memref<1x32768xf32, #tpu.memory_space<hbm>> -> memref<32768xf32, #tpu.memory_space<hbm>>
    tpu.enqueue_dma source(%dma_start3A_15 : memref<32768xf32, #tpu.memory_space<hbm>>) target(%arg6 : memref<32768xf32, #tpu.memory_space<vmem>>) target_semaphore(%arg11 : memref<!tpu.dma_semaphore, #tpu.memory_space<semaphore_mem>>)
    %add3A_16 = arith.constant 2 : i32
    %add3A_17 = arith.addi %mul3A_2, %add3A_16 : i32
    %dma_start3A_18 = arith.constant 0 : i32
    %dma_start3A_19 = tpu.memref_slice %arg2[%add3A_17, %dma_start3A_18] : memref<128x32768xf32, #tpu.memory_space<hbm>> -> memref<1x32768xf32, #tpu.memory_space<hbm>>
    %dma_start3A_20 = tpu.memref_squeeze %dma_start3A_19 : memref<1x32768xf32, #tpu.memory_space<hbm>> -> memref<32768xf32, #tpu.memory_space<hbm>>
    %dma_start3A_21 = arith.constant 0 : i32
    %dma_start3A_22 = tpu.memref_slice %arg2[%add3A_17, %dma_start3A_21] : memref<128x32768xf32, #tpu.memory_space<hbm>> -> memref<1x32768xf32, #tpu.memory_space<hbm>>
    %dma_start3A_23 = tpu.memref_squeeze %dma_start3A_22 : memref<1x32768xf32, #tpu.memory_space<hbm>> -> memref<32768xf32, #tpu.memory_space<hbm>>
    tpu.enqueue_dma source(%dma_start3A_23 : memref<32768xf32, #tpu.memory_space<hbm>>) target(%arg7 : memref<32768xf32, #tpu.memory_space<vmem>>) target_semaphore(%arg12 : memref<!tpu.dma_semaphore, #tpu.memory_space<semaphore_mem>>)
    %dma_wait3A = arith.constant 0 : i32
    %dma_wait3A_24 = tpu.memref_slice %arg2[%mul3A_2, %dma_wait3A] : memref<128x32768xf32, #tpu.memory_space<hbm>> -> memref<1x32768xf32, #tpu.memory_space<hbm>>
    %dma_wait3A_25 = tpu.memref_squeeze %dma_wait3A_24 : memref<1x32768xf32, #tpu.memory_space<hbm>> -> memref<32768xf32, #tpu.memory_space<hbm>>
    %dma_wait3A_26 = arith.constant 0 : i32
    %dma_wait3A_27 = tpu.memref_slice %arg2[%mul3A_2, %dma_wait3A_26] : memref<128x32768xf32, #tpu.memory_space<hbm>> -> memref<1x32768xf32, #tpu.memory_space<hbm>>
    %dma_wait3A_28 = tpu.memref_squeeze %dma_wait3A_27 : memref<1x32768xf32, #tpu.memory_space<hbm>> -> memref<32768xf32, #tpu.memory_space<hbm>>
    tpu.wait_dma2 semaphore(%arg10 : memref<!tpu.dma_semaphore, #tpu.memory_space<semaphore_mem>>) src(%dma_wait3A_28 : memref<32768xf32, #tpu.memory_space<hbm>>) dst(%arg5 : memref<32768xf32, #tpu.memory_space<vmem>>)
    %dma_wait3A_29 = arith.constant 0 : i32
    %dma_wait3A_30 = tpu.memref_slice %arg2[%add3A_9, %dma_wait3A_29] : memref<128x32768xf32, #tpu.memory_space<hbm>> -> memref<1x32768xf32, #tpu.memory_space<hbm>>
    %dma_wait3A_31 = tpu.memref_squeeze %dma_wait3A_30 : memref<1x32768xf32, #tpu.memory_space<hbm>> -> memref<32768xf32, #tpu.memory_space<hbm>>
    %dma_wait3A_32 = arith.constant 0 : i32
    %dma_wait3A_33 = tpu.memref_slice %arg2[%add3A_9, %dma_wait3A_32] : memref<128x32768xf32, #tpu.memory_space<hbm>> -> memref<1x32768xf32, #tpu.memory_space<hbm>>
    %dma_wait3A_34 = tpu.memref_squeeze %dma_wait3A_33 : memref<1x32768xf32, #tpu.memory_space<hbm>> -> memref<32768xf32, #tpu.memory_space<hbm>>
    tpu.wait_dma2 semaphore(%arg11 : memref<!tpu.dma_semaphore, #tpu.memory_space<semaphore_mem>>) src(%dma_wait3A_34 : memref<32768xf32, #tpu.memory_space<hbm>>) dst(%arg6 : memref<32768xf32, #tpu.memory_space<vmem>>)
    %dma_wait3A_35 = arith.constant 0 : i32
    %dma_wait3A_36 = tpu.memref_slice %arg2[%add3A_17, %dma_wait3A_35] : memref<128x32768xf32, #tpu.memory_space<hbm>> -> memref<1x32768xf32, #tpu.memory_space<hbm>>
    %dma_wait3A_37 = tpu.memref_squeeze %dma_wait3A_36 : memref<1x32768xf32, #tpu.memory_space<hbm>> -> memref<32768xf32, #tpu.memory_space<hbm>>
    %dma_wait3A_38 = arith.constant 0 : i32
    %dma_wait3A_39 = tpu.memref_slice %arg2[%add3A_17, %dma_wait3A_38] : memref<128x32768xf32, #tpu.memory_space<hbm>> -> memref<1x32768xf32, #tpu.memory_space<hbm>>
    %dma_wait3A_40 = tpu.memref_squeeze %dma_wait3A_39 : memref<1x32768xf32, #tpu.memory_space<hbm>> -> memref<32768xf32, #tpu.memory_space<hbm>>
    tpu.wait_dma2 semaphore(%arg12 : memref<!tpu.dma_semaphore, #tpu.memory_space<semaphore_mem>>) src(%dma_wait3A_40 : memref<32768xf32, #tpu.memory_space<hbm>>) dst(%arg7 : memref<32768xf32, #tpu.memory_space<vmem>>)
    %add3A_41 = arith.constant 3 : i32
    %add3A_42 = arith.addi %mul3A_2, %add3A_41 : i32
    %dma_start3A_43 = arith.constant 0 : i32
    %dma_start3A_44 = tpu.memref_slice %arg2[%add3A_42, %dma_start3A_43] : memref<128x32768xf32, #tpu.memory_space<hbm>> -> memref<1x32768xf32, #tpu.memory_space<hbm>>
    %dma_start3A_45 = tpu.memref_squeeze %dma_start3A_44 : memref<1x32768xf32, #tpu.memory_space<hbm>> -> memref<32768xf32, #tpu.memory_space<hbm>>
    %dma_start3A_46 = arith.constant 0 : i32
    %dma_start3A_47 = tpu.memref_slice %arg2[%add3A_42, %dma_start3A_46] : memref<128x32768xf32, #tpu.memory_space<hbm>> -> memref<1x32768xf32, #tpu.memory_space<hbm>>
    %dma_start3A_48 = tpu.memref_squeeze %dma_start3A_47 : memref<1x32768xf32, #tpu.memory_space<hbm>> -> memref<32768xf32, #tpu.memory_space<hbm>>
    tpu.enqueue_dma source(%dma_start3A_48 : memref<32768xf32, #tpu.memory_space<hbm>>) target(%arg5 : memref<32768xf32, #tpu.memory_space<vmem>>) target_semaphore(%arg10 : memref<!tpu.dma_semaphore, #tpu.memory_space<semaphore_mem>>)
    %dma_wait3A_49 = arith.constant 0 : i32
    %dma_wait3A_50 = tpu.memref_slice %arg2[%add3A_42, %dma_wait3A_49] : memref<128x32768xf32, #tpu.memory_space<hbm>> -> memref<1x32768xf32, #tpu.memory_space<hbm>>
    %dma_wait3A_51 = tpu.memref_squeeze %dma_wait3A_50 : memref<1x32768xf32, #tpu.memory_space<hbm>> -> memref<32768xf32, #tpu.memory_space<hbm>>
    %dma_wait3A_52 = arith.constant 0 : i32
    %dma_wait3A_53 = tpu.memref_slice %arg2[%add3A_42, %dma_wait3A_52] : memref<128x32768xf32, #tpu.memory_space<hbm>> -> memref<1x32768xf32, #tpu.memory_space<hbm>>
    %dma_wait3A_54 = tpu.memref_squeeze %dma_wait3A_53 : memref<1x32768xf32, #tpu.memory_space<hbm>> -> memref<32768xf32, #tpu.memory_space<hbm>>
    tpu.wait_dma2 semaphore(%arg10 : memref<!tpu.dma_semaphore, #tpu.memory_space<semaphore_mem>>) src(%dma_wait3A_54 : memref<32768xf32, #tpu.memory_space<hbm>>) dst(%arg5 : memref<32768xf32, #tpu.memory_space<vmem>>)
    %get3A = arith.constant 0 : index
    %get3A_55 = tpu.vector_load %arg5[%get3A] {strides = array<i32>} : memref<32768xf32, #tpu.memory_space<vmem>>, vector<16xf32>,
    %swap3A = arith.constant 0 : index
    %swap3A_56 = tpu.vector_load %arg8[%swap3A] {strides = array<i32>} : memref<32xf32, #tpu.memory_space<vmem>>, vector<16xf32>,
    tpu.vector_store %arg8[%swap3A], %get3A_55 {strides = array<i32>} : memref<32xf32, #tpu.memory_space<vmem>>, vector<16xf32>,
    %get3A_57 = arith.constant 0 : index
    %get3A_58 = tpu.vector_load %arg6[%get3A_57] {strides = array<i32>} : memref<32768xf32, #tpu.memory_space<vmem>>, vector<16xf32>,
    %swap3A_59 = arith.constant 16 : index
    %swap3A_60 = tpu.vector_load %arg8[%swap3A_59] {strides = array<i32>} : memref<32xf32, #tpu.memory_space<vmem>>, vector<16xf32>,
    tpu.vector_store %arg8[%swap3A_59], %get3A_58 {strides = array<i32>} : memref<32xf32, #tpu.memory_space<vmem>>, vector<16xf32>,
    %iota3A = tpu.iota {dimensions = array<i32: 0>} : vector<16xi32>
    %swap3A_61 = arith.constant 0 : index
    %swap3A_62 = tpu.vector_load %arg9[%swap3A_61] {strides = array<i32>} : memref<32xi32, #tpu.memory_space<vmem>>, vector<16xi32>,
    tpu.vector_store %arg9[%swap3A_61], %iota3A {strides = array<i32>} : memref<32xi32, #tpu.memory_space<vmem>>, vector<16xi32>,
    %iota3A_63 = tpu.iota {dimensions = array<i32: 0>} : vector<16xi32>
    %swap3A_64 = arith.constant 16 : index
    %swap3A_65 = tpu.vector_load %arg9[%swap3A_64] {strides = array<i32>} : memref<32xi32, #tpu.memory_space<vmem>>, vector<16xi32>,
    tpu.vector_store %arg9[%swap3A_64], %iota3A_63 {strides = array<i32>} : memref<32xi32, #tpu.memory_space<vmem>>, vector<16xi32>,
    %add3A_66 = arith.constant 0 : i32
    %add3A_67 = arith.addi %mul3A_2, %add3A_66 : i32
    "tpu.region"() ({
      %run_scoped3A = tpu.sem_alloc : memref<!tpu.dma_semaphore, #tpu.memory_space<semaphore_mem>>
      %dma_start3A_124 = arith.constant 0 : i32
      %dma_start3A_125 = tpu.memref_slice %arg3[%add3A_67, %dma_start3A_124] : memref<128x32xf32, #tpu.memory_space<hbm>> -> memref<1x32xf32, #tpu.memory_space<hbm>>
      %dma_start3A_126 = tpu.memref_squeeze %dma_start3A_125 : memref<1x32xf32, #tpu.memory_space<hbm>> -> memref<32xf32, #tpu.memory_space<hbm>>
      %dma_start3A_127 = arith.constant 0 : i32
      %dma_start3A_128 = tpu.memref_slice %arg3[%add3A_67, %dma_start3A_127] : memref<128x32xf32, #tpu.memory_space<hbm>> -> memref<1x32xf32, #tpu.memory_space<hbm>>
      %dma_start3A_129 = tpu.memref_squeeze %dma_start3A_128 : memref<1x32xf32, #tpu.memory_space<hbm>> -> memref<32xf32, #tpu.memory_space<hbm>>
      tpu.enqueue_dma source(%arg8 : memref<32xf32, #tpu.memory_space<vmem>>) target(%dma_start3A_129 : memref<32xf32, #tpu.memory_space<hbm>>) target_semaphore(%run_scoped3A : memref<!tpu.dma_semaphore, #tpu.memory_space<semaphore_mem>>)
      %dma_wait3A_130 = arith.constant 0 : i32
      %dma_wait3A_131 = tpu.memref_slice %arg3[%add3A_67, %dma_wait3A_130] : memref<128x32xf32, #tpu.memory_space<hbm>> -> memref<1x32xf32, #tpu.memory_space<hbm>>
      %dma_wait3A_132 = tpu.memref_squeeze %dma_wait3A_131 : memref<1x32xf32, #tpu.memory_space<hbm>> -> memref<32xf32, #tpu.memory_space<hbm>>
      %dma_wait3A_133 = arith.constant 0 : i32
      %dma_wait3A_134 = tpu.memref_slice %arg3[%add3A_67, %dma_wait3A_133] : memref<128x32xf32, #tpu.memory_space<hbm>> -> memref<1x32xf32, #tpu.memory_space<hbm>>
      %dma_wait3A_135 = tpu.memref_squeeze %dma_wait3A_134 : memref<1x32xf32, #tpu.memory_space<hbm>> -> memref<32xf32, #tpu.memory_space<hbm>>
      tpu.wait_dma2 semaphore(%run_scoped3A : memref<!tpu.dma_semaphore, #tpu.memory_space<semaphore_mem>>) src(%arg8 : memref<32xf32, #tpu.memory_space<vmem>>) dst(%dma_wait3A_135 : memref<32xf32, #tpu.memory_space<hbm>>)
      tpu.yield
    }) : () -> ()
    %add3A_68 = arith.constant 0 : i32
    %add3A_69 = arith.addi %mul3A_2, %add3A_68 : i32
    "tpu.region"() ({
      %run_scoped3A = tpu.sem_alloc : memref<!tpu.dma_semaphore, #tpu.memory_space<semaphore_mem>>
      %dma_start3A_124 = arith.constant 0 : i32
      %dma_start3A_125 = tpu.memref_slice %arg4[%add3A_69, %dma_start3A_124] : memref<128x32xi32, #tpu.memory_space<hbm>> -> memref<1x32xi32, #tpu.memory_space<hbm>>
      %dma_start3A_126 = tpu.memref_squeeze %dma_start3A_125 : memref<1x32xi32, #tpu.memory_space<hbm>> -> memref<32xi32, #tpu.memory_space<hbm>>
      %dma_start3A_127 = arith.constant 0 : i32
      %dma_start3A_128 = tpu.memref_slice %arg4[%add3A_69, %dma_start3A_127] : memref<128x32xi32, #tpu.memory_space<hbm>> -> memref<1x32xi32, #tpu.memory_space<hbm>>
      %dma_start3A_129 = tpu.memref_squeeze %dma_start3A_128 : memref<1x32xi32, #tpu.memory_space<hbm>> -> memref<32xi32, #tpu.memory_space<hbm>>
      tpu.enqueue_dma source(%arg9 : memref<32xi32, #tpu.memory_space<vmem>>) target(%dma_start3A_129 : memref<32xi32, #tpu.memory_space<hbm>>) target_semaphore(%run_scoped3A : memref<!tpu.dma_semaphore, #tpu.memory_space<semaphore_mem>>)
      %dma_wait3A_130 = arith.constant 0 : i32
      %dma_wait3A_131 = tpu.memref_slice %arg4[%add3A_69, %dma_wait3A_130] : memref<128x32xi32, #tpu.memory_space<hbm>> -> memref<1x32xi32, #tpu.memory_space<hbm>>
      %dma_wait3A_132 = tpu.memref_squeeze %dma_wait3A_131 : memref<1x32xi32, #tpu.memory_space<hbm>> -> memref<32xi32, #tpu.memory_space<hbm>>
      %dma_wait3A_133 = arith.constant 0 : i32
      %dma_wait3A_134 = tpu.memref_slice %arg4[%add3A_69, %dma_wait3A_133] : memref<128x32xi32, #tpu.memory_space<hbm>> -> memref<1x32xi32, #tpu.memory_space<hbm>>
      %dma_wait3A_135 = tpu.memref_squeeze %dma_wait3A_134 : memref<1x32xi32, #tpu.memory_space<hbm>> -> memref<32xi32, #tpu.memory_space<hbm>>
      tpu.wait_dma2 semaphore(%run_scoped3A : memref<!tpu.dma_semaphore, #tpu.memory_space<semaphore_mem>>) src(%arg9 : memref<32xi32, #tpu.memory_space<vmem>>) dst(%dma_wait3A_135 : memref<32xi32, #tpu.memory_space<hbm>>)
      tpu.yield
    }) : () -> ()
    %get3A_70 = arith.constant 0 : index
    %get3A_71 = tpu.vector_load %arg5[%get3A_70] {strides = array<i32>} : memref<32768xf32, #tpu.memory_space<vmem>>, vector<16xf32>,
    %swap3A_72 = arith.constant 0 : index
    %swap3A_73 = tpu.vector_load %arg8[%swap3A_72] {strides = array<i32>} : memref<32xf32, #tpu.memory_space<vmem>>, vector<16xf32>,
    tpu.vector_store %arg8[%swap3A_72], %get3A_71 {strides = array<i32>} : memref<32xf32, #tpu.memory_space<vmem>>, vector<16xf32>,
    %get3A_74 = arith.constant 0 : index
    %get3A_75 = tpu.vector_load %arg6[%get3A_74] {strides = array<i32>} : memref<32768xf32, #tpu.memory_space<vmem>>, vector<16xf32>,
    %swap3A_76 = arith.constant 16 : index
    %swap3A_77 = tpu.vector_load %arg8[%swap3A_76] {strides = array<i32>} : memref<32xf32, #tpu.memory_space<vmem>>, vector<16xf32>,
    tpu.vector_store %arg8[%swap3A_76], %get3A_75 {strides = array<i32>} : memref<32xf32, #tpu.memory_space<vmem>>, vector<16xf32>,
    %iota3A_78 = tpu.iota {dimensions = array<i32: 0>} : vector<16xi32>
    %swap3A_79 = arith.constant 0 : index
    %swap3A_80 = tpu.vector_load %arg9[%swap3A_79] {strides = array<i32>} : memref<32xi32, #tpu.memory_space<vmem>>, vector<16xi32>,
    tpu.vector_store %arg9[%swap3A_79], %iota3A_78 {strides = array<i32>} : memref<32xi32, #tpu.memory_space<vmem>>, vector<16xi32>,
    %iota3A_81 = tpu.iota {dimensions = array<i32: 0>} : vector<16xi32>
    %swap3A_82 = arith.constant 16 : index
    %swap3A_83 = tpu.vector_load %arg9[%swap3A_82] {strides = array<i32>} : memref<32xi32, #tpu.memory_space<vmem>>, vector<16xi32>,
    tpu.vector_store %arg9[%swap3A_82], %iota3A_81 {strides = array<i32>} : memref<32xi32, #tpu.memory_space<vmem>>, vector<16xi32>,
    %add3A_84 = arith.constant 1 : i32
    %add3A_85 = arith.addi %mul3A_2, %add3A_84 : i32
    "tpu.region"() ({
      %run_scoped3A = tpu.sem_alloc : memref<!tpu.dma_semaphore, #tpu.memory_space<semaphore_mem>>
      %dma_start3A_124 = arith.constant 0 : i32
      %dma_start3A_125 = tpu.memref_slice %arg3[%add3A_85, %dma_start3A_124] : memref<128x32xf32, #tpu.memory_space<hbm>> -> memref<1x32xf32, #tpu.memory_space<hbm>>
      %dma_start3A_126 = tpu.memref_squeeze %dma_start3A_125 : memref<1x32xf32, #tpu.memory_space<hbm>> -> memref<32xf32, #tpu.memory_space<hbm>>
      %dma_start3A_127 = arith.constant 0 : i32
      %dma_start3A_128 = tpu.memref_slice %arg3[%add3A_85, %dma_start3A_127] : memref<128x32xf32, #tpu.memory_space<hbm>> -> memref<1x32xf32, #tpu.memory_space<hbm>>
      %dma_start3A_129 = tpu.memref_squeeze %dma_start3A_128 : memref<1x32xf32, #tpu.memory_space<hbm>> -> memref<32xf32, #tpu.memory_space<hbm>>
      tpu.enqueue_dma source(%arg8 : memref<32xf32, #tpu.memory_space<vmem>>) target(%dma_start3A_129 : memref<32xf32, #tpu.memory_space<hbm>>) target_semaphore(%run_scoped3A : memref<!tpu.dma_semaphore, #tpu.memory_space<semaphore_mem>>)
      %dma_wait3A_130 = arith.constant 0 : i32
      %dma_wait3A_131 = tpu.memref_slice %arg3[%add3A_85, %dma_wait3A_130] : memref<128x32xf32, #tpu.memory_space<hbm>> -> memref<1x32xf32, #tpu.memory_space<hbm>>
      %dma_wait3A_132 = tpu.memref_squeeze %dma_wait3A_131 : memref<1x32xf32, #tpu.memory_space<hbm>> -> memref<32xf32, #tpu.memory_space<hbm>>
      %dma_wait3A_133 = arith.constant 0 : i32
      %dma_wait3A_134 = tpu.memref_slice %arg3[%add3A_85, %dma_wait3A_133] : memref<128x32xf32, #tpu.memory_space<hbm>> -> memref<1x32xf32, #tpu.memory_space<hbm>>
      %dma_wait3A_135 = tpu.memref_squeeze %dma_wait3A_134 : memref<1x32xf32, #tpu.memory_space<hbm>> -> memref<32xf32, #tpu.memory_space<hbm>>
      tpu.wait_dma2 semaphore(%run_scoped3A : memref<!tpu.dma_semaphore, #tpu.memory_space<semaphore_mem>>) src(%arg8 : memref<32xf32, #tpu.memory_space<vmem>>) dst(%dma_wait3A_135 : memref<32xf32, #tpu.memory_space<hbm>>)
      tpu.yield
    }) : () -> ()
    %add3A_86 = arith.constant 1 : i32
    %add3A_87 = arith.addi %mul3A_2, %add3A_86 : i32
    "tpu.region"() ({
      %run_scoped3A = tpu.sem_alloc : memref<!tpu.dma_semaphore, #tpu.memory_space<semaphore_mem>>
      %dma_start3A_124 = arith.constant 0 : i32
      %dma_start3A_125 = tpu.memref_slice %arg4[%add3A_87, %dma_start3A_124] : memref<128x32xi32, #tpu.memory_space<hbm>> -> memref<1x32xi32, #tpu.memory_space<hbm>>
      %dma_start3A_126 = tpu.memref_squeeze %dma_start3A_125 : memref<1x32xi32, #tpu.memory_space<hbm>> -> memref<32xi32, #tpu.memory_space<hbm>>
      %dma_start3A_127 = arith.constant 0 : i32
      %dma_start3A_128 = tpu.memref_slice %arg4[%add3A_87, %dma_start3A_127] : memref<128x32xi32, #tpu.memory_space<hbm>> -> memref<1x32xi32, #tpu.memory_space<hbm>>
      %dma_start3A_129 = tpu.memref_squeeze %dma_start3A_128 : memref<1x32xi32, #tpu.memory_space<hbm>> -> memref<32xi32, #tpu.memory_space<hbm>>
      tpu.enqueue_dma source(%arg9 : memref<32xi32, #tpu.memory_space<vmem>>) target(%dma_start3A_129 : memref<32xi32, #tpu.memory_space<hbm>>) target_semaphore(%run_scoped3A : memref<!tpu.dma_semaphore, #tpu.memory_space<semaphore_mem>>)
      %dma_wait3A_130 = arith.constant 0 : i32
      %dma_wait3A_131 = tpu.memref_slice %arg4[%add3A_87, %dma_wait3A_130] : memref<128x32xi32, #tpu.memory_space<hbm>> -> memref<1x32xi32, #tpu.memory_space<hbm>>
      %dma_wait3A_132 = tpu.memref_squeeze %dma_wait3A_131 : memref<1x32xi32, #tpu.memory_space<hbm>> -> memref<32xi32, #tpu.memory_space<hbm>>
      %dma_wait3A_133 = arith.constant 0 : i32
      %dma_wait3A_134 = tpu.memref_slice %arg4[%add3A_87, %dma_wait3A_133] : memref<128x32xi32, #tpu.memory_space<hbm>> -> memref<1x32xi32, #tpu.memory_space<hbm>>
      %dma_wait3A_135 = tpu.memref_squeeze %dma_wait3A_134 : memref<1x32xi32, #tpu.memory_space<hbm>> -> memref<32xi32, #tpu.memory_space<hbm>>
      tpu.wait_dma2 semaphore(%run_scoped3A : memref<!tpu.dma_semaphore, #tpu.memory_space<semaphore_mem>>) src(%arg9 : memref<32xi32, #tpu.memory_space<vmem>>) dst(%dma_wait3A_135 : memref<32xi32, #tpu.memory_space<hbm>>)
      tpu.yield
    }) : () -> ()
    %get3A_88 = arith.constant 0 : index
    %get3A_89 = tpu.vector_load %arg5[%get3A_88] {strides = array<i32>} : memref<32768xf32, #tpu.memory_space<vmem>>, vector<16xf32>,
    %swap3A_90 = arith.constant 0 : index
    %swap3A_91 = tpu.vector_load %arg8[%swap3A_90] {strides = array<i32>} : memref<32xf32, #tpu.memory_space<vmem>>, vector<16xf32>,
    tpu.vector_store %arg8[%swap3A_90], %get3A_89 {strides = array<i32>} : memref<32xf32, #tpu.memory_space<vmem>>, vector<16xf32>,
    %get3A_92 = arith.constant 0 : index
    %get3A_93 = tpu.vector_load %arg6[%get3A_92] {strides = array<i32>} : memref<32768xf32, #tpu.memory_space<vmem>>, vector<16xf32>,
    %swap3A_94 = arith.constant 16 : index
    %swap3A_95 = tpu.vector_load %arg8[%swap3A_94] {strides = array<i32>} : memref<32xf32, #tpu.memory_space<vmem>>, vector<16xf32>,
    tpu.vector_store %arg8[%swap3A_94], %get3A_93 {strides = array<i32>} : memref<32xf32, #tpu.memory_space<vmem>>, vector<16xf32>,
    %iota3A_96 = tpu.iota {dimensions = array<i32: 0>} : vector<16xi32>
    %swap3A_97 = arith.constant 0 : index
    %swap3A_98 = tpu.vector_load %arg9[%swap3A_97] {strides = array<i32>} : memref<32xi32, #tpu.memory_space<vmem>>, vector<16xi32>,
    tpu.vector_store %arg9[%swap3A_97], %iota3A_96 {strides = array<i32>} : memref<32xi32, #tpu.memory_space<vmem>>, vector<16xi32>,
    %iota3A_99 = tpu.iota {dimensions = array<i32: 0>} : vector<16xi32>
    %swap3A_100 = arith.constant 16 : index
    %swap3A_101 = tpu.vector_load %arg9[%swap3A_100] {strides = array<i32>} : memref<32xi32, #tpu.memory_space<vmem>>, vector<16xi32>,
    tpu.vector_store %arg9[%swap3A_100], %iota3A_99 {strides = array<i32>} : memref<32xi32, #tpu.memory_space<vmem>>, vector<16xi32>,
    %add3A_102 = arith.constant 2 : i32
    %add3A_103 = arith.addi %mul3A_2, %add3A_102 : i32
    "tpu.region"() ({
      %run_scoped3A = tpu.sem_alloc : memref<!tpu.dma_semaphore, #tpu.memory_space<semaphore_mem>>
      %dma_start3A_124 = arith.constant 0 : i32
      %dma_start3A_125 = tpu.memref_slice %arg3[%add3A_103, %dma_start3A_124] : memref<128x32xf32, #tpu.memory_space<hbm>> -> memref<1x32xf32, #tpu.memory_space<hbm>>
      %dma_start3A_126 = tpu.memref_squeeze %dma_start3A_125 : memref<1x32xf32, #tpu.memory_space<hbm>> -> memref<32xf32, #tpu.memory_space<hbm>>
      %dma_start3A_127 = arith.constant 0 : i32
      %dma_start3A_128 = tpu.memref_slice %arg3[%add3A_103, %dma_start3A_127] : memref<128x32xf32, #tpu.memory_space<hbm>> -> memref<1x32xf32, #tpu.memory_space<hbm>>
      %dma_start3A_129 = tpu.memref_squeeze %dma_start3A_128 : memref<1x32xf32, #tpu.memory_space<hbm>> -> memref<32xf32, #tpu.memory_space<hbm>>
      tpu.enqueue_dma source(%arg8 : memref<32xf32, #tpu.memory_space<vmem>>) target(%dma_start3A_129 : memref<32xf32, #tpu.memory_space<hbm>>) target_semaphore(%run_scoped3A : memref<!tpu.dma_semaphore, #tpu.memory_space<semaphore_mem>>)
      %dma_wait3A_130 = arith.constant 0 : i32
      %dma_wait3A_131 = tpu.memref_slice %arg3[%add3A_103, %dma_wait3A_130] : memref<128x32xf32, #tpu.memory_space<hbm>> -> memref<1x32xf32, #tpu.memory_space<hbm>>
      %dma_wait3A_132 = tpu.memref_squeeze %dma_wait3A_131 : memref<1x32xf32, #tpu.memory_space<hbm>> -> memref<32xf32, #tpu.memory_space<hbm>>
      %dma_wait3A_133 = arith.constant 0 : i32
      %dma_wait3A_134 = tpu.memref_slice %arg3[%add3A_103, %dma_wait3A_133] : memref<128x32xf32, #tpu.memory_space<hbm>> -> memref<1x32xf32, #tpu.memory_space<hbm>>
      %dma_wait3A_135 = tpu.memref_squeeze %dma_wait3A_134 : memref<1x32xf32, #tpu.memory_space<hbm>> -> memref<32xf32, #tpu.memory_space<hbm>>
      tpu.wait_dma2 semaphore(%run_scoped3A : memref<!tpu.dma_semaphore, #tpu.memory_space<semaphore_mem>>) src(%arg8 : memref<32xf32, #tpu.memory_space<vmem>>) dst(%dma_wait3A_135 : memref<32xf32, #tpu.memory_space<hbm>>)
      tpu.yield
    }) : () -> ()
    %add3A_104 = arith.constant 2 : i32
    %add3A_105 = arith.addi %mul3A_2, %add3A_104 : i32
    "tpu.region"() ({
      %run_scoped3A = tpu.sem_alloc : memref<!tpu.dma_semaphore, #tpu.memory_space<semaphore_mem>>
      %dma_start3A_124 = arith.constant 0 : i32
      %dma_start3A_125 = tpu.memref_slice %arg4[%add3A_105, %dma_start3A_124] : memref<128x32xi32, #tpu.memory_space<hbm>> -> memref<1x32xi32, #tpu.memory_space<hbm>>
      %dma_start3A_126 = tpu.memref_squeeze %dma_start3A_125 : memref<1x32xi32, #tpu.memory_space<hbm>> -> memref<32xi32, #tpu.memory_space<hbm>>
      %dma_start3A_127 = arith.constant 0 : i32
      %dma_start3A_128 = tpu.memref_slice %arg4[%add3A_105, %dma_start3A_127] : memref<128x32xi32, #tpu.memory_space<hbm>> -> memref<1x32xi32, #tpu.memory_space<hbm>>
      %dma_start3A_129 = tpu.memref_squeeze %dma_start3A_128 : memref<1x32xi32, #tpu.memory_space<hbm>> -> memref<32xi32, #tpu.memory_space<hbm>>
      tpu.enqueue_dma source(%arg9 : memref<32xi32, #tpu.memory_space<vmem>>) target(%dma_start3A_129 : memref<32xi32, #tpu.memory_space<hbm>>) target_semaphore(%run_scoped3A : memref<!tpu.dma_semaphore, #tpu.memory_space<semaphore_mem>>)
      %dma_wait3A_130 = arith.constant 0 : i32
      %dma_wait3A_131 = tpu.memref_slice %arg4[%add3A_105, %dma_wait3A_130] : memref<128x32xi32, #tpu.memory_space<hbm>> -> memref<1x32xi32, #tpu.memory_space<hbm>>
      %dma_wait3A_132 = tpu.memref_squeeze %dma_wait3A_131 : memref<1x32xi32, #tpu.memory_space<hbm>> -> memref<32xi32, #tpu.memory_space<hbm>>
      %dma_wait3A_133 = arith.constant 0 : i32
      %dma_wait3A_134 = tpu.memref_slice %arg4[%add3A_105, %dma_wait3A_133] : memref<128x32xi32, #tpu.memory_space<hbm>> -> memref<1x32xi32, #tpu.memory_space<hbm>>
      %dma_wait3A_135 = tpu.memref_squeeze %dma_wait3A_134 : memref<1x32xi32, #tpu.memory_space<hbm>> -> memref<32xi32, #tpu.memory_space<hbm>>
      tpu.wait_dma2 semaphore(%run_scoped3A : memref<!tpu.dma_semaphore, #tpu.memory_space<semaphore_mem>>) src(%arg9 : memref<32xi32, #tpu.memory_space<vmem>>) dst(%dma_wait3A_135 : memref<32xi32, #tpu.memory_space<hbm>>)
      tpu.yield
    }) : () -> ()
    %get3A_106 = arith.constant 0 : index
    %get3A_107 = tpu.vector_load %arg5[%get3A_106] {strides = array<i32>} : memref<32768xf32, #tpu.memory_space<vmem>>, vector<16xf32>,
    %swap3A_108 = arith.constant 0 : index
    %swap3A_109 = tpu.vector_load %arg8[%swap3A_108] {strides = array<i32>} : memref<32xf32, #tpu.memory_space<vmem>>, vector<16xf32>,
    tpu.vector_store %arg8[%swap3A_108], %get3A_107 {strides = array<i32>} : memref<32xf32, #tpu.memory_space<vmem>>, vector<16xf32>,
    %get3A_110 = arith.constant 0 : index
    %get3A_111 = tpu.vector_load %arg6[%get3A_110] {strides = array<i32>} : memref<32768xf32, #tpu.memory_space<vmem>>, vector<16xf32>,
    %swap3A_112 = arith.constant 16 : index
    %swap3A_113 = tpu.vector_load %arg8[%swap3A_112] {strides = array<i32>} : memref<32xf32, #tpu.memory_space<vmem>>, vector<16xf32>,
    tpu.vector_store %arg8[%swap3A_112], %get3A_111 {strides = array<i32>} : memref<32xf32, #tpu.memory_space<vmem>>, vector<16xf32>,
    %iota3A_114 = tpu.iota {dimensions = array<i32: 0>} : vector<16xi32>
    %swap3A_115 = arith.constant 0 : index
    %swap3A_116 = tpu.vector_load %arg9[%swap3A_115] {strides = array<i32>} : memref<32xi32, #tpu.memory_space<vmem>>, vector<16xi32>,
    tpu.vector_store %arg9[%swap3A_115], %iota3A_114 {strides = array<i32>} : memref<32xi32, #tpu.memory_space<vmem>>, vector<16xi32>,
    %iota3A_117 = tpu.iota {dimensions = array<i32: 0>} : vector<16xi32>
    %swap3A_118 = arith.constant 16 : index
    %swap3A_119 = tpu.vector_load %arg9[%swap3A_118] {strides = array<i32>} : memref<32xi32, #tpu.memory_space<vmem>>, vector<16xi32>,
    tpu.vector_store %arg9[%swap3A_118], %iota3A_117 {strides = array<i32>} : memref<32xi32, #tpu.memory_space<vmem>>, vector<16xi32>,
    %add3A_120 = arith.constant 3 : i32
    %add3A_121 = arith.addi %mul3A_2, %add3A_120 : i32
    "tpu.region"() ({
      %run_scoped3A = tpu.sem_alloc : memref<!tpu.dma_semaphore, #tpu.memory_space<semaphore_mem>>
      %dma_start3A_124 = arith.constant 0 : i32
      %dma_start3A_125 = tpu.memref_slice %arg3[%add3A_121, %dma_start3A_124] : memref<128x32xf32, #tpu.memory_space<hbm>> -> memref<1x32xf32, #tpu.memory_space<hbm>>
      %dma_start3A_126 = tpu.memref_squeeze %dma_start3A_125 : memref<1x32xf32, #tpu.memory_space<hbm>> -> memref<32xf32, #tpu.memory_space<hbm>>
      %dma_start3A_127 = arith.constant 0 : i32
      %dma_start3A_128 = tpu.memref_slice %arg3[%add3A_121, %dma_start3A_127] : memref<128x32xf32, #tpu.memory_space<hbm>> -> memref<1x32xf32, #tpu.memory_space<hbm>>
      %dma_start3A_129 = tpu.memref_squeeze %dma_start3A_128 : memref<1x32xf32, #tpu.memory_space<hbm>> -> memref<32xf32, #tpu.memory_space<hbm>>
      tpu.enqueue_dma source(%arg8 : memref<32xf32, #tpu.memory_space<vmem>>) target(%dma_start3A_129 : memref<32xf32, #tpu.memory_space<hbm>>) target_semaphore(%run_scoped3A : memref<!tpu.dma_semaphore, #tpu.memory_space<semaphore_mem>>)
      %dma_wait3A_130 = arith.constant 0 : i32
      %dma_wait3A_131 = tpu.memref_slice %arg3[%add3A_121, %dma_wait3A_130] : memref<128x32xf32, #tpu.memory_space<hbm>> -> memref<1x32xf32, #tpu.memory_space<hbm>>
      %dma_wait3A_132 = tpu.memref_squeeze %dma_wait3A_131 : memref<1x32xf32, #tpu.memory_space<hbm>> -> memref<32xf32, #tpu.memory_space<hbm>>
      %dma_wait3A_133 = arith.constant 0 : i32
      %dma_wait3A_134 = tpu.memref_slice %arg3[%add3A_121, %dma_wait3A_133] : memref<128x32xf32, #tpu.memory_space<hbm>> -> memref<1x32xf32, #tpu.memory_space<hbm>>
      %dma_wait3A_135 = tpu.memref_squeeze %dma_wait3A_134 : memref<1x32xf32, #tpu.memory_space<hbm>> -> memref<32xf32, #tpu.memory_space<hbm>>
      tpu.wait_dma2 semaphore(%run_scoped3A : memref<!tpu.dma_semaphore, #tpu.memory_space<semaphore_mem>>) src(%arg8 : memref<32xf32, #tpu.memory_space<vmem>>) dst(%dma_wait3A_135 : memref<32xf32, #tpu.memory_space<hbm>>)
      tpu.yield
    }) : () -> ()
    %add3A_122 = arith.constant 3 : i32
    %add3A_123 = arith.addi %mul3A_2, %add3A_122 : i32
    "tpu.region"() ({
      %run_scoped3A = tpu.sem_alloc : memref<!tpu.dma_semaphore, #tpu.memory_space<semaphore_mem>>
      %dma_start3A_124 = arith.constant 0 : i32
      %dma_start3A_125 = tpu.memref_slice %arg4[%add3A_123, %dma_start3A_124] : memref<128x32xi32, #tpu.memory_space<hbm>> -> memref<1x32xi32, #tpu.memory_space<hbm>>
      %dma_start3A_126 = tpu.memref_squeeze %dma_start3A_125 : memref<1x32xi32, #tpu.memory_space<hbm>> -> memref<32xi32, #tpu.memory_space<hbm>>
      %dma_start3A_127 = arith.constant 0 : i32
      %dma_start3A_128 = tpu.memref_slice %arg4[%add3A_123, %dma_start3A_127] : memref<128x32xi32, #tpu.memory_space<hbm>> -> memref<1x32xi32, #tpu.memory_space<hbm>>
      %dma_start3A_129 = tpu.memref_squeeze %dma_start3A_128 : memref<1x32xi32, #tpu.memory_space<hbm>> -> memref<32xi32, #tpu.memory_space<hbm>>
      tpu.enqueue_dma source(%arg9 : memref<32xi32, #tpu.memory_space<vmem>>) target(%dma_start3A_129 : memref<32xi32, #tpu.memory_space<hbm>>) target_semaphore(%run_scoped3A : memref<!tpu.dma_semaphore, #tpu.memory_space<semaphore_mem>>)
      %dma_wait3A_130 = arith.constant 0 : i32
      %dma_wait3A_131 = tpu.memref_slice %arg4[%add3A_123, %dma_wait3A_130] : memref<128x32xi32, #tpu.memory_space<hbm>> -> memref<1x32xi32, #tpu.memory_space<hbm>>
      %dma_wait3A_132 = tpu.memref_squeeze %dma_wait3A_131 : memref<1x32xi32, #tpu.memory_space<hbm>> -> memref<32xi32, #tpu.memory_space<hbm>>
      %dma_wait3A_133 = arith.constant 0 : i32
      %dma_wait3A_134 = tpu.memref_slice %arg4[%add3A_123, %dma_wait3A_133] : memref<128x32xi32, #tpu.memory_space<hbm>> -> memref<1x32xi32, #tpu.memory_space<hbm>>
      %dma_wait3A_135 = tpu.memref_squeeze %dma_wait3A_134 : memref<1x32xi32, #tpu.memory_space<hbm>> -> memref<32xi32, #tpu.memory_space<hbm>>
      tpu.wait_dma2 semaphore(%run_scoped3A : memref<!tpu.dma_semaphore, #tpu.memory_space<semaphore_mem>>) src(%arg9 : memref<32xi32, #tpu.memory_space<vmem>>) dst(%dma_wait3A_135 : memref<32xi32, #tpu.memory_space<hbm>>)
      tpu.yield
    }) : () -> ()
    return
  }
}

</mosaic_0001>

<sc_bundles>
// kernel: kernel.3.cloned.1.call-start
scs
__scs_entry_jumppad:
0x0: {  	(pc) =	sbr.rel $0x88, $3  }
0x1: {  	(tag) =	ssettag $0x0;
	lr =	simm.s32 $0x1  }
0x2: {  	[smem:$0x3FA0] =	sst lr;
	_ =	strace $0xD0000000  }
0x3: {  	_ = 	snop  }
0x4: {  	_ = 	snop  }
0x5: {  	_ = 	snop  }
0x6: {  	_ = 	snop  }
0x7: {  	_ = 	snop  }
__scs_overlays_trampoline_lowered:
0x8: {  	[smem:$0x3FAF] =	sst s0  }
0x9: {  	[smem:$0x3FB0] =	sst s1  }
0xa: {  	[smem:$0x3FB1] =	sst s2  }
0xb: {  	[smem:$0x3FB2] =	sst s3  }
0xc: {  	[smem:$0x3FB3] =	sst s4  }
0xd: {  	[smem:$0x3FB4] =	sst s5  }
0xe: {  	[smem:$0x3FB5] =	sst s6  }
0xf: {  	[smem:$0x3FB6] =	sst s7  }
0x10: {  	[smem:$0x3FB7] =	sst s8  }
0x11: {  	[smem:$0x3FB8] =	sst s9;
	s0 =	simm.s32 @!p0 $0x0  }
0x12: {  	s1 =	sld [smem:$0x3F9E];
	s0 =	simm.s32 @p0 $0x1  }
0x13: {  	[smem:$0x3FB9] =	sst s0;
	s0 =	simm.s32 @!p1 $0x0  }
0x14: {  	s2 =	sld [smem:$0x3F9D];
	s0 =	simm.s32 @p1 $0x1  }
0x15: {  	[smem:$0x3FBA] =	sst s0;
	s0 =	simm.s32 @!p2 $0x0  }
0x16: {  	s3 =	sld [smem:$0x3FDB];
	s0 =	simm.s32 @p2 $0x1  }
0x17: {  	s4 =	simm.s32 $0x1BF5;
	[smem:$0x3FBC] =	sst s0  }
0x18: {  	s0 =	sld [smem:$0x3F9F];
	_ =	swait.ge [sflag:s4], $0x0  }
0x19: {  	s7 =	sld [smem:$0x3FA0]  }
0x1a: {  	s8 =	sadd.s32 $0xFFFFE003, lr  }
0x1b: {  	s9 =	sadd.s32 $0xFFFFFEF7, lr;
	s5 =	simm.s32 $0xFFFFFFFF;
	p2 =	slt.u32 s8, $0xFFFFF086  }
0x1c: {  	p1 =	slt.u32 s9, $0xF7A;
	s5 =	simm.s32 @!p2 $0x0  }
0x1d: {  	s5 =	simm.s32 @p1 $0x1;
	p0 =	seq.s32 s7, s2  }
0x1e: {  	s7 =	smul.u32 @!p0 $0xF7A, s2;
	p2 =	seq.s32 @!p0 s5, $0x0  }
0x1f: {  	s9 =	smul.u32 $0xF7A, s1;
	s8 =	simm.s32 @!p0 $0x1BF5;
	p2 =	por !p2, p0  }
0x20: {  	[sflag:s8] =	ssyncset.s32 @!p0 $0xFFFFF086;
	s6 =	sadd.s32 @!p0 s3, s7;
	s7 =	simm.s32 @!p0 $0x108  }
0x21: {  	s3 =	sadd.s32 s3, s9;
	s6 =	sadd.s32 @!p0 $0x88, s6;
	s7 =	simm.s32 @p2 $0x1082  }
0x22: {  	[simem:s7], [sflag:s8] =	dma.local @!p0 [hbm:s6], $0xF7A  }
0x23: {  	s9 =	sor.u32 $0xD0000000, s2;
	s6 =	simm.s32 $0x108;
	_ =	swait.ge @!p0 [sflag:s8], $0x0  }
0x24: {  	s3 =	sadd.s32 $0x88, s3;
	s6 =	simm.s32 @!p1 $0x1082;
	[sflag:s4] =	ssyncset.s32 $0xFFFFF086  }
0x25: {  	[simem:s6], [sflag:s4] =	dma.local [hbm:s3], $0xF7A  }
0x26: {  	[smem:$0x3FA0] =	sst s1;
	(tag) =	ssettag s2;
	_ =	strace s9  }
0x27: {  	s1 =	sld [smem:$0x3FB0]  }
0x28: {  	s2 =	sld [smem:$0x3FB1]  }
0x29: {  	s4 =	sld [smem:$0x3FB3]  }
0x2a: {  	p0 =	seq.s32 s5, $0x0;
	s5 =	sld [smem:$0x3FB4]  }
0x2b: {  	s6 =	sld [smem:$0x3FB5]  }
0x2c: {  	s7 =	sld [smem:$0x3FB6]  }
0x2d: {  	s3 =	simm.s32 $0x108;
	s8 =	sld [smem:$0x3FB7]  }
0x2e: {  	s3 =	simm.s32 @!p0 $0x1082;
	s9 =	sld [smem:$0x3FB8]  }
0x2f: {  	lr =	sadd.s32 s0, s3;
	s0 =	sld [smem:$0x3FAF]  }
0x30: {  	s3 =	sld [smem:$0x3FB2]  }
0x31: {  	[smem:$0x3FBB] =	sst s10  }
0x32: {  	s10 =	sld [smem:$0x3FB9];
	_ =	sdelay $0x3  }
0x33: {  	p0 =	seq.s32 s10, $0x1;
	s10 =	sld [smem:$0x3FBB];
	_ =	sdelay $0x3  }
0x34: {  	[smem:$0x3FBB] =	sst s10  }
0x35: {  	s10 =	sld [smem:$0x3FBA];
	_ =	sdelay $0x3  }
0x36: {  	p1 =	seq.s32 s10, $0x1;
	s10 =	sld [smem:$0x3FBB];
	_ =	sdelay $0x3  }
0x37: {  	[smem:$0x3FBB] =	sst s10  }
0x38: {  	s10 =	sld [smem:$0x3FBC]  }
0x39: {  	_ = 	snop;
	(pc) =	sbr.ind lr, $3  }
0x3a: {  	_ = 	snop  }
0x3b: {  	_ = 	snop  }
0x3c: {  	p2 =	seq.s32 s10, $0x1;
	s10 =	sld [smem:$0x3FBB]  }
0x3d: {  	_ =	shalt  }
0x3e: {  	_ =	shalt  }
0x3f: {  	_ =	shalt  }
0x40: {  	_ =	shalt  }
0x41: {  	_ =	shalt  }
0x42: {  	_ =	shalt  }
0x43: {  	_ =	shalt  }
0x44: {  	_ =	shalt  }
0x45: {  	_ =	shalt  }
0x46: {  	_ =	shalt  }
0x47: {  	_ =	shalt  }
0x48: {  	_ =	shalt  }
0x49: {  	_ =	shalt  }
0x4a: {  	_ =	shalt  }
0x4b: {  	_ =	shalt  }
0x4c: {  	_ =	shalt  }
0x4d: {  	_ =	shalt  }
0x4e: {  	_ =	shalt  }
0x4f: {  	_ =	shalt  }
0x50: {  	_ =	shalt  }
0x51: {  	_ =	shalt  }
0x52: {  	_ =	shalt  }
0x53: {  	_ =	shalt  }
0x54: {  	_ =	shalt  }
0x55: {  	_ =	shalt  }
0x56: {  	_ =	shalt  }
0x57: {  	_ =	shalt  }
0x58: {  	_ =	shalt  }
0x59: {  	_ =	shalt  }
0x5a: {  	_ =	shalt  }
0x5b: {  	_ =	shalt  }
0x5c: {  	_ =	shalt  }
0x5d: {  	_ =	shalt  }
0x5e: {  	_ =	shalt  }
0x5f: {  	_ =	shalt  }
0x60: {  	_ =	shalt  }
0x61: {  	_ =	shalt  }
0x62: {  	_ =	shalt  }
0x63: {  	_ =	shalt  }
0x64: {  	_ =	shalt  }
0x65: {  	_ =	shalt  }
0x66: {  	_ =	shalt  }
0x67: {  	_ =	shalt  }
0x68: {  	_ =	shalt  }
0x69: {  	_ =	shalt  }
0x6a: {  	_ =	shalt  }
0x6b: {  	_ =	shalt  }
0x6c: {  	_ =	shalt  }
0x6d: {  	_ =	shalt  }
0x6e: {  	_ =	shalt  }
0x6f: {  	_ =	shalt  }
0x70: {  	_ =	shalt  }
0x71: {  	_ =	shalt  }
0x72: {  	_ =	shalt  }
0x73: {  	_ =	shalt  }
0x74: {  	_ =	shalt  }
0x75: {  	_ =	shalt  }
0x76: {  	_ =	shalt  }
0x77: {  	_ =	shalt  }
0x78: {  	_ =	shalt  }
0x79: {  	_ =	shalt  }
0x7a: {  	_ =	shalt  }
0x7b: {  	_ =	shalt  }
0x7c: {  	_ =	shalt  }
0x7d: {  	_ =	shalt  }
0x7e: {  	_ =	shalt  }
0x7f: {  	_ =	shalt  }
0x80: {  	_ =	shalt  }
0x81: {  	_ =	shalt  }
0x82: {  	_ =	shalt  }
0x83: {  	_ =	shalt  }
0x84: {  	_ =	shalt  }
0x85: {  	_ =	shalt  }
0x86: {  	_ =	shalt  }
0x87: {  	_ =	shalt  }
.Lfunc_end0:
.L_simem_size_0:
called_computation_lowered:
.L_overlay_start_0:
0x88: {  	s2 =	sld [smem:$0x3FD9]  }
0x89: {  	s3 =	sld [smem:$0x3FFE];
	_ =	sdelay $0x1  }
0x8a: {  	s1 =	srdreg.scid  }
0x8b: {  	s0 =	sand.u32 $0x1, s1  }
0x8c: {  	s17 =	sshll.u32 s0, $0xA;
	s2 =	sadd.s32 s3, s2  }
0x8d: {  	s2 =	sadd.s32 s2, s17  }
0x8e: {  	[smem:$0x3FC7] =	sst s2  }
0x8f: {  	_ = 	snop  }
0x90: {  	s2 =	sld [smem:$0x3FC9];
	(tm) =	ssettm $0x1  }
0x91: {  	s18 =	sld [smem:$0x3FFB];
	_ =	sdelay $0x3  }
0x92: {  	_ =	strace s18  }
0x93: {  	s3 =	sld [smem:$0x3FFC];
	_ =	sdelay $0x3  }
0x94: {  	_ =	strace s3  }
0x95: {  	s3 =	sld [smem:$0x3FFD];
	_ =	sdelay $0x3  }
0x96: {  	_ =	strace s3  }
0x97: {  	_ =	strace $0x8FFFFFFF  }
0x98: {  	s19 =	sld [smem:$0x3FDB];
	_ =	sdelay $0x1  }
0x99: {  	s4 =	simm.s32 $_scs_section_size  }
0x9a: {  	s5 =	simm.s32 $_size__tile_overlayer_lowered;
	s6 =	simm.s32 $_tile_overlayer_lowered  }
0x9b: {  	s22 =	simm.s32 $0x1BFF;
	s21 =	sshll.u32 s6, $0x1;
	s3 =	sadd.s32 s4, s19  }
0x9c: {  	s7 =	simm.s32 $0x0;
	s20 =	sshll.u32 s5, $0x1;
	s5 =	sadd.s32 s21, s3  }
0x9d: {  	[timem:s7], [sflag:s22] =	dma.local [hbm:s5], s20  }
0x9e: {  	_ =	swait.ge [sflag:s22], s20  }
0x9f: {  	s4 =	ssub.s32 $0x0, s20;
	[sflag:s22] =	ssyncset.done $0x0  }
0xa0: {  	[sflag:s22] =	ssyncadd.s32 s4;
	_ =	sdelay $0x1  }
0xa1: {  	s23 =	simm.s32 $0x1B8B  }
0xa2: {  	_ =	swait.ge [sflag:s23], $0x1  }
0xa3: {  	[sflag:s23] =	ssyncset.done $0x0  }
0xa4: {  	s25 =	simm.s32 $0x1B8E;
	s24 =	sld [smem:$0x3FFE];
	[sflag:s23] =	ssyncadd.s32 $0xFFFFFFFF  }
0xa5: {  	s26 =	simm.s32 $execute0_lowered;
	[smem:$0x3FD2] =	sst s25  }
0xa6: {  	s5 =	sshll.u32 s26, $0x1;
	_ =	strace $0x80000046;
	[dreg:$0x1] =	wrdreg $0xFFFFFFFF  }
0xa7: {  	s28 =	simm.s32 $_size_execute0_lowered;
	s3 =	sadd.s32 s3, s5;
	[dreg:$0x0] =	wrdreg $0x0  }
0xa8: {  	s5 =	sshll.u32 s28, $0x1;
	[dreg:$0x2] =	wrdreg s3  }
0xa9: {  	[dreg:$0x3] =	wrdreg s5  }
0xaa: {  	[dreg:$0x4] =	wrdreg $0xC0  }
0xab: {  	_ =	task [dreg:s7], $0x5FFFF  }
0xac: {  	[dreg:$0x1] =	wrdreg $0xFFFFFFFF  }
0xad: {  	[dreg:$0x0] =	wrdreg $0x60  }
0xae: {  	[dreg:$0x2] =	wrdreg s2  }
0xaf: {  	[dreg:$0x3] =	wrdreg s24  }
0xb0: {  	[dreg:$0x4] =	wrdreg $0x9  }
0xb1: {  	_ =	task.clear_ibuf [dreg:s7], $0x5FFFF;
	_ =	strace $0x90000046  }
0xb2: {  	s29 =	simm.s32 $0x9;
	_ =	strace $0x80000048  }
0xb3: {  	_ =	swait.ge [sflag:s29], $0x1  }
0xb4: {  	[sflag:s29] =	ssyncadd.s32 $0xFFFFFFFF  }
0xb5: {  	_ =	strace $0x90000048  }
0xb6: {  	_ =	sfence  }
0xb7: {  	s30 =	sld [smem:$0x0];
	_ =	sdelay $0x2  }
0xb8: {  	s31 =	sshll.u32 s1, $0xD;
	s1 =	sshrl.u32 s1, $0x2  }
0xb9: {  	s3 =	sand.u32 $0x4000, s31;
	s1 =	sadd.s32 s1, s30  }
0xba: {  	s0 =	sor.u32 s3, s0;
	s1 =	sshll.u32 s1, $0x11  }
0xbb: {  	s0 =	sor.u32 s1, s0  }
0xbc: {  	s0 =	sadd.s32 $0x8F2B, s0  }
0xbd: {  	[sflag:s0] =	ssyncadd.remote.s32 $0x1  }
0xbe: {  	_ =	sfence.sel $0xFFFF  }
0xbf: {  	[dreg:$0x0] =	wrdreg $0xFFFFFFFF;
	(pc) =	sbr.abs _section_cstart, $3  }
0xc0: {  	[dreg:$0x1] =	wrdreg $0xFFFFFFFF  }
0xc1: {  	_ =	task.clear_ibuf [dreg:s7], $0x2FFFF;
	_ =	strace $0x9FFFFFFF  }
0xc2: {  	(tm) =	ssettm $0x7FFFFFFF  }
0xc3: {  	_ =	shalt  }
tec
execute0_lowered:
.L_overlay_start_1:
0x0: {  	(tag) =	ssettag $0x1  }
0x1: {  	s13 =	rddreg [dreg:$0x0]  }
0x2: {  	s17 =	rddreg [dreg:$0x1];
	s2 =	srdreg.scid  }
0x3: {  	s0 =	rddreg [dreg:$0x2];
	s1 =	stileid.u32;
	s23 =	sand.u32 $0x1, s2  }
0x4: {  	s2 =	simm.s32 $0x0;
	s15 =	sshll.u32 s1, $0x12;
	s14 =	sshll.u32 s23, $0x9  }
0x5: {  	s5 =	simm.s32 $0x400;
	[smem:$0x7FF] =	sst s2;
	s3 =	sor.u32 s14, s15  }
0x6: {  	s19 =	sor.u32 $0x80, s14;
	_ =	strace $0x80000047;
	s21 =	sor.u32 $0x100, s14  }
0x7: {  	s3 =	sshrl.u32 s3, $0x3;
	s4 =	sor.u32 s15, s19;
	s7 =	sor.u32 s15, s21  }
0x8: {  	s3 =	sadd.s32 s13, s3;
	s6 =	sshrl.u32 s4, $0x3;
	s4 =	simm.s32 $0x80  }
0x9: {  	[tilespmem:s2], [sflag:$0x1] =	stream.strided.gather [hbm4b:s3+s4], $0x8000, s5, s4, $0x38;
	[tilespmem:$0x18100] =	vst v63  }
0xa: {  	s8 =	sshrl.u32 s7, $0x3;
	s7 =	simm.s32 $0x8000;
	s6 =	sadd.s32 s13, s6  }
0xb: {  	[tilespmem:s7], [sflag:$0x2] =	stream.strided.gather [hbm4b:s6+s4], $0x8000, s5, s4, $0x38;
	[tilespmem:$0x18100] =	vst v63  }
0xc: {  	s9 =	simm.s32 $0x10000;
	s10 =	simm.s32 $0x1;
	s8 =	sadd.s32 s13, s8  }
0xd: {  	[tilespmem:s9], [sflag:$0x3] =	stream.strided.gather [hbm4b:s8+s4], $0x8000, s5, s4, $0x38;
	[tilespmem:$0x18100] =	vst v63  }
0xe: {  	_ =	swait.ge [sflag:s10], $0x8000  }
0xf: {  	[sflag:s10] =	ssyncset.done $0x0  }
0x10: {  	s11 =	simm.s32 $0x2;
	[sflag:s10] =	ssyncadd.s32 $0xFFFF8000  }
0x11: {  	_ =	swait.ge [sflag:s11], $0x8000  }
0x12: {  	[sflag:s11] =	ssyncset.done $0x0  }
0x13: {  	s12 =	simm.s32 $0x3;
	s24 =	sor.u32 $0x180, s14;
	[sflag:s11] =	ssyncadd.s32 $0xFFFF8000  }
0x14: {  	s15 =	sor.u32 s15, s24;
	_ =	swait.ge [sflag:s12], $0x8000  }
0x15: {  	s15 =	sshrl.u32 s15, $0x3;
	[sflag:s12] =	ssyncset.done $0x0  }
0x16: {  	s13 =	sadd.s32 s13, s15;
	[sflag:s12] =	ssyncadd.s32 $0xFFFF8000  }
0x17: {  	[tilespmem:s2], [sflag:$0x1] =	stream.strided.gather [hbm4b:s13+s4], $0x8000, s5, s4, $0x38;
	[tilespmem:$0x18100] =	vst v63  }
0x18: {  	_ =	swait.ge [sflag:s10], $0x8000  }
0x19: {  	[sflag:s10] =	ssyncset.done $0x0  }
0x1a: {  	[sflag:s10] =	ssyncadd.s32 $0xFFFF8000  }
0x1b: {  	v1 =	vld [tilespmem:$0x0]  }
0x1c: {  	v2 =	vld [tilespmem:$0x8000]  }
0x1d: {  	v0 =	vlaneseq.u32  }
0x1e: {  	s26 =	sshll.u32 s1, $0xA;
	[tilespmem:$0x18080] =	vst v0  }
0x1f: {  	s14 =	sor.u32 s14, s26;
	[tilespmem:$0x18090] =	vst v0  }
0x20: {  	s25 =	sadd.s32 $0x800, s17;
	s18 =	sshrl.u32 s14, $0x3;
	[tilespmem:$0x18000] =	vst v1  }
0x21: {  	s16 =	simm.s32 $0x18000;
	s14 =	simm.s32 $0x4;
	s15 =	sadd.s32 s25, s18;
	[tilespmem:$0x18010] =	vst v2  }
0x22: {  	[hbm4b:s15+s2] =	stream.linear.scatter [tilespmem:s16], [sflag:$0x4], $0x80, $0x38;
	[tilespmem:$0x18100] =	vst v63  }
0x23: {  	_ =	swait.ge [sflag:s14], $0x80  }
0x24: {  	s28 =	sadd.s32 $0x1000, s17;
	[sflag:s14] =	ssyncset.done $0x0  }
0x25: {  	s17 =	simm.s32 $0x18080;
	s18 =	sadd.s32 s28, s18;
	[sflag:s14] =	ssyncadd.s32 $0xFFFFFF80  }
0x26: {  	[hbm4b:s18+s2] =	stream.linear.scatter [tilespmem:s17], [sflag:$0x4], $0x80, $0x38;
	[tilespmem:$0x18100] =	vst v63  }
0x27: {  	_ =	swait.ge [sflag:s14], $0x80  }
0x28: {  	[sflag:s14] =	ssyncset.done $0x0  }
0x29: {  	[sflag:s14] =	ssyncadd.s32 $0xFFFFFF80  }
0x2a: {  	v1 =	vld [tilespmem:$0x0]  }
0x2b: {  	v2 =	vld [tilespmem:$0x8000];
	_ =	sdelay $0x1  }
0x2c: {  	[tilespmem:$0x18080] =	vst v0  }
0x2d: {  	s19 =	sor.u32 s26, s19;
	[tilespmem:$0x18090] =	vst v0  }
0x2e: {  	s20 =	sshrl.u32 s19, $0x3;
	[tilespmem:$0x18000] =	vst v1  }
0x2f: {  	s19 =	sadd.s32 s25, s20;
	[tilespmem:$0x18010] =	vst v2  }
0x30: {  	[hbm4b:s19+s2] =	stream.linear.scatter [tilespmem:s16], [sflag:$0x4], $0x80, $0x38;
	[tilespmem:$0x18100] =	vst v63  }
0x31: {  	_ =	swait.ge [sflag:s14], $0x80  }
0x32: {  	[sflag:s14] =	ssyncset.done $0x0  }
0x33: {  	s20 =	sadd.s32 s28, s20;
	[sflag:s14] =	ssyncadd.s32 $0xFFFFFF80  }
0x34: {  	[hbm4b:s20+s2] =	stream.linear.scatter [tilespmem:s17], [sflag:$0x4], $0x80, $0x38;
	[tilespmem:$0x18100] =	vst v63  }
0x35: {  	_ =	swait.ge [sflag:s14], $0x80  }
0x36: {  	[sflag:s14] =	ssyncset.done $0x0  }
0x37: {  	[sflag:s14] =	ssyncadd.s32 $0xFFFFFF80  }
0x38: {  	v1 =	vld [tilespmem:$0x0]  }
0x39: {  	v2 =	vld [tilespmem:$0x8000];
	_ =	sdelay $0x1  }
0x3a: {  	[tilespmem:$0x18080] =	vst v0  }
0x3b: {  	s21 =	sor.u32 s26, s21;
	[tilespmem:$0x18090] =	vst v0  }
0x3c: {  	s22 =	sshrl.u32 s21, $0x3;
	[tilespmem:$0x18000] =	vst v1  }
0x3d: {  	s21 =	sadd.s32 s25, s22;
	[tilespmem:$0x18010] =	vst v2  }
0x3e: {  	[hbm4b:s21+s2] =	stream.linear.scatter [tilespmem:s16], [sflag:$0x4], $0x80, $0x38;
	[tilespmem:$0x18100] =	vst v63  }
0x3f: {  	_ =	swait.ge [sflag:s14], $0x80  }
0x40: {  	[sflag:s14] =	ssyncset.done $0x0  }
0x41: {  	s22 =	sadd.s32 s28, s22;
	[sflag:s14] =	ssyncadd.s32 $0xFFFFFF80  }
0x42: {  	[hbm4b:s22+s2] =	stream.linear.scatter [tilespmem:s17], [sflag:$0x4], $0x80, $0x38;
	[tilespmem:$0x18100] =	vst v63  }
0x43: {  	_ =	swait.ge [sflag:s14], $0x80  }
0x44: {  	[sflag:s14] =	ssyncset.done $0x0  }
0x45: {  	[sflag:s14] =	ssyncadd.s32 $0xFFFFFF80  }
0x46: {  	s23 =	ssub.s32 $0x2, s23;
	v1 =	vld [tilespmem:$0x0]  }
0x47: {  	s30 =	sshrl.u32 s23, $0x1;
	v2 =	vld [tilespmem:$0x8000]  }
0x48: {  	s24 =	sor.u32 s26, s24;
	s26 =	ssub.s32 s23, s30  }
0x49: {  	s31 =	smax.u32 s26, $0x1;
	[tilespmem:$0x18080] =	vst v0  }
0x4a: {  	p0 =	sne.s32 s31, $0x1;
	[tilespmem:$0x18090] =	vst v0  }
.Ltmp0:
0x4b: {  	s24 =	sshrl.u32 s24, $0x3;
	[tilespmem:$0x18000] =	vst v1;
	(pc) =	sbr.rel @!p0 .LBB2_2-.Ltmp0, $4  }
0x4c: {  	s23 =	sadd.s32 s25, s24;
	[tilespmem:$0x18010] =	vst v2  }
0x4d: {  	[hbm4b:s23+s2] =	stream.linear.scatter [tilespmem:s16], [sflag:$0x4], $0x80, $0x38;
	[tilespmem:$0x18100] =	vst v63  }
0x4e: {  	_ =	swait.ge [sflag:s14], $0x80  }
0x4f: {  	s24 =	sadd.s32 s28, s24;
	s25 =	sadd.s32 $0xFFFFFFFF, s31;
	[sflag:s14] =	ssyncset.done $0x0  }
.LBB2_1:
0x50: {  	p0 =	sne.s32 s25, $0x1;
	s25 =	sadd.s32 $0xFFFFFFFF, s25;
	[sflag:s14] =	ssyncadd.s32 $0xFFFFFF80  }
0x51: {  	[hbm4b:s24+s2] =	stream.linear.scatter [tilespmem:s17], [sflag:$0x4], $0x80, $0x38;
	[tilespmem:$0x18100] =	vst v63  }
0x52: {  	_ =	swait.ge [sflag:s14], $0x80  }
0x53: {  	[sflag:s14] =	ssyncset.done $0x0  }
0x54: {  	[sflag:s14] =	ssyncadd.s32 $0xFFFFFF80  }
0x55: {  	[tilespmem:s2], [sflag:$0x1] =	stream.strided.gather [hbm4b:s3+s4], $0x8000, s5, s4, $0x38;
	[tilespmem:$0x18100] =	vst v63  }
0x56: {  	_ = 	snop  }
0x57: {  	[tilespmem:s7], [sflag:$0x2] =	stream.strided.gather [hbm4b:s6+s4], $0x8000, s5, s4, $0x38;
	[tilespmem:$0x18100] =	vst v63  }
0x58: {  	_ = 	snop  }
0x59: {  	[tilespmem:s9], [sflag:$0x3] =	stream.strided.gather [hbm4b:s8+s4], $0x8000, s5, s4, $0x38;
	[tilespmem:$0x18100] =	vst v63  }
0x5a: {  	_ =	swait.ge [sflag:s10], $0x8000  }
0x5b: {  	[sflag:s10] =	ssyncset.done $0x0  }
0x5c: {  	[sflag:s10] =	ssyncadd.s32 $0xFFFF8000  }
0x5d: {  	_ =	swait.ge [sflag:s11], $0x8000  }
0x5e: {  	[sflag:s11] =	ssyncset.done $0x0  }
0x5f: {  	[sflag:s11] =	ssyncadd.s32 $0xFFFF8000  }
0x60: {  	_ =	swait.ge [sflag:s12], $0x8000  }
0x61: {  	[sflag:s12] =	ssyncset.done $0x0  }
0x62: {  	[sflag:s12] =	ssyncadd.s32 $0xFFFF8000  }
0x63: {  	[tilespmem:s2], [sflag:$0x1] =	stream.strided.gather [hbm4b:s13+s4], $0x8000, s5, s4, $0x38;
	[tilespmem:$0x18100] =	vst v63  }
0x64: {  	_ =	swait.ge [sflag:s10], $0x8000  }
0x65: {  	[sflag:s10] =	ssyncset.done $0x0  }
0x66: {  	[sflag:s10] =	ssyncadd.s32 $0xFFFF8000  }
0x67: {  	v1 =	vld [tilespmem:$0x0];
	[tilespmem:$0x18080] =	vst v0  }
0x68: {  	v2 =	vld [tilespmem:$0x8000];
	[tilespmem:$0x18090] =	vst v0;
	_ =	sdelay $0x3  }
0x69: {  	[tilespmem:$0x18000] =	vst v1  }
0x6a: {  	[tilespmem:$0x18010] =	vst v2  }
0x6b: {  	[hbm4b:s15+s2] =	stream.linear.scatter [tilespmem:s16], [sflag:$0x4], $0x80, $0x38;
	[tilespmem:$0x18100] =	vst v63  }
0x6c: {  	_ =	swait.ge [sflag:s14], $0x80  }
0x6d: {  	[sflag:s14] =	ssyncset.done $0x0  }
0x6e: {  	[sflag:s14] =	ssyncadd.s32 $0xFFFFFF80  }
0x6f: {  	[hbm4b:s18+s2] =	stream.linear.scatter [tilespmem:s17], [sflag:$0x4], $0x80, $0x38;
	[tilespmem:$0x18100] =	vst v63  }
0x70: {  	_ =	swait.ge [sflag:s14], $0x80  }
0x71: {  	[sflag:s14] =	ssyncset.done $0x0  }
0x72: {  	[sflag:s14] =	ssyncadd.s32 $0xFFFFFF80  }
0x73: {  	v1 =	vld [tilespmem:$0x0];
	[tilespmem:$0x18080] =	vst v0  }
0x74: {  	v2 =	vld [tilespmem:$0x8000];
	[tilespmem:$0x18090] =	vst v0;
	_ =	sdelay $0x3  }
0x75: {  	[tilespmem:$0x18000] =	vst v1  }
0x76: {  	[tilespmem:$0x18010] =	vst v2  }
0x77: {  	[hbm4b:s19+s2] =	stream.linear.scatter [tilespmem:s16], [sflag:$0x4], $0x80, $0x38;
	[tilespmem:$0x18100] =	vst v63  }
0x78: {  	_ =	swait.ge [sflag:s14], $0x80  }
0x79: {  	[sflag:s14] =	ssyncset.done $0x0  }
0x7a: {  	[sflag:s14] =	ssyncadd.s32 $0xFFFFFF80  }
0x7b: {  	[hbm4b:s20+s2] =	stream.linear.scatter [tilespmem:s17], [sflag:$0x4], $0x80, $0x38;
	[tilespmem:$0x18100] =	vst v63  }
0x7c: {  	_ =	swait.ge [sflag:s14], $0x80  }
0x7d: {  	[sflag:s14] =	ssyncset.done $0x0  }
0x7e: {  	[sflag:s14] =	ssyncadd.s32 $0xFFFFFF80  }
0x7f: {  	v1 =	vld [tilespmem:$0x0];
	[tilespmem:$0x18080] =	vst v0  }
0x80: {  	v2 =	vld [tilespmem:$0x8000];
	[tilespmem:$0x18090] =	vst v0;
	_ =	sdelay $0x3  }
0x81: {  	[tilespmem:$0x18000] =	vst v1  }
0x82: {  	[tilespmem:$0x18010] =	vst v2  }
0x83: {  	[hbm4b:s21+s2] =	stream.linear.scatter [tilespmem:s16], [sflag:$0x4], $0x80, $0x38;
	[tilespmem:$0x18100] =	vst v63  }
0x84: {  	_ =	swait.ge [sflag:s14], $0x80  }
0x85: {  	[sflag:s14] =	ssyncset.done $0x0  }
0x86: {  	[sflag:s14] =	ssyncadd.s32 $0xFFFFFF80  }
0x87: {  	[hbm4b:s22+s2] =	stream.linear.scatter [tilespmem:s17], [sflag:$0x4], $0x80, $0x38;
	[tilespmem:$0x18100] =	vst v63  }
0x88: {  	_ =	swait.ge [sflag:s14], $0x80  }
0x89: {  	[sflag:s14] =	ssyncset.done $0x0  }
0x8a: {  	[sflag:s14] =	ssyncadd.s32 $0xFFFFFF80  }
0x8b: {  	v1 =	vld [tilespmem:$0x0];
	[tilespmem:$0x18080] =	vst v0  }
0x8c: {  	v2 =	vld [tilespmem:$0x8000];
	[tilespmem:$0x18090] =	vst v0;
	_ =	sdelay $0x3  }
.Ltmp1:
0x8d: {  	[tilespmem:$0x18000] =	vst v1;
	(pc) =	sbr.rel @p0 .LBB2_1-.Ltmp1, $4  }
0x8e: {  	[tilespmem:$0x18010] =	vst v2  }
0x8f: {  	[hbm4b:s23+s2] =	stream.linear.scatter [tilespmem:s16], [sflag:$0x4], $0x80, $0x38;
	[tilespmem:$0x18100] =	vst v63  }
0x90: {  	_ =	swait.ge [sflag:s14], $0x80  }
0x91: {  	[sflag:s14] =	ssyncset.done $0x0  }
.LBB2_2:
0x92: {  	[sflag:s14] =	ssyncadd.s32 $0xFFFFFF80  }
0x93: {  	[hbm4b:s24+s2] =	stream.linear.scatter [tilespmem:s17], [sflag:$0x4], $0x80, $0x38;
	[tilespmem:$0x18100] =	vst v63  }
0x94: {  	_ =	swait.ge [sflag:s14], $0x80  }
0x95: {  	[sflag:s14] =	ssyncset.done $0x0  }
0x96: {  	[sflag:s14] =	ssyncadd.s32 $0xFFFFFF80  }
0x97: {  	_ =	sfence.sel $0x180000  }
0x98: {  	[bflag:$0x0] =	sbarrier.arrive $0xFFFF  }
0x99: {  	p0 =	sne.s32 s1, $0x0;
	_ =	strace $0x90000047  }
0x9a: {  	s0 =	sadd.s32 @!p0 $0x100000, s0;
	[bflag:$0x2] =	sbarrier.arrive $0xFFFF  }
0x9b: {  	[sflag:s0] =	ssyncadd.tile.s32 @!p0 $0x1;
	_ =	shalt  }
.Lfunc_end2:
_tile_overlayer_lowered:
.L_overlay_start_2:
0x9c: {  	(tag) =	ssettag $0x2  }
0x9d: {  	s0 =	rddreg [dreg:$0x0];
	s2 =	stileid.u32  }
0x9e: {  	s1 =	rddreg [dreg:$0x1];
	p0 =	sne.s32 s2, $0x0  }
0x9f: {  	s3 =	rddreg [dreg:$0x2];
	[bflag:$0x3] =	sbarrier.arrive $0xFFFF;
	s2 =	simm.s32 @!p0 $0x1C04  }
0xa0: {  	[timem:s3], [sflag:s2] =	dma.local @!p0 [hbm:s0], s1  }
0xa1: {  	s0 =	simm.s32 @!p0 $0x4  }
0xa2: {  	_ =	swait.ge @!p0 [sflag:s0], s1  }
0xa3: {  	s1 =	ssub.s32 @!p0 $0x0, s1;
	[sflag:s0] =	ssyncset.done @!p0 $0x0  }
0xa4: {  	[sflag:s0] =	ssyncadd.s32 @!p0 s1  }
0xa5: {  	[bflag:$0x3] =	sbarrier.arrive $0xFFFF  }
0xa6: {  	_ =	shalt  }

</sc_bundles>
